<compile_context>
chip_gen: v7x
topology: tpu7x:2x2x1
jax: 0.10.2.dev20260603
libtpu: 0.0.44.dev20260713+nightly
codegen_flags: <defaults>
</compile_context>

<pallas_src>
import functools

import jax
import jax.numpy as jnp
from jax import lax
from jax.experimental import pallas as pl
from jax.experimental.pallas import tpu as pltpu
from jax.experimental.pallas import tpu_sc as plsc

_K = 128
_N = 16 * 128 * 128
_CHUNK = 16


def _sc_gather_affine(x_flat, et_flat, mul_flat, bias_flat):
    info = plsc.get_sparse_core_info()
    nc, ns = info.num_cores, info.num_subcores
    nw = nc * ns
    per_w = _N // nw
    table_n = mul_flat.shape[0]

    mesh = plsc.VectorSubcoreMesh(core_axis_name="c", subcore_axis_name="s")

    @functools.partial(
        pl.kernel,
        out_type=jax.ShapeDtypeStruct((_N,), jnp.float32),
        mesh=mesh,
        compiler_params=pltpu.CompilerParams(needs_layout_passes=False),
        scratch_types=[
            pltpu.VMEM((per_w,), jnp.int32),
            pltpu.VMEM((per_w,), jnp.float32),
            pltpu.VMEM((per_w,), jnp.float32),
            pltpu.VMEM((table_n,), jnp.float32),
            pltpu.VMEM((table_n,), jnp.float32),
            pltpu.SemaphoreType.DMA,
            pltpu.SemaphoreType.DMA,
            pltpu.SemaphoreType.DMA,
            pltpu.SemaphoreType.DMA,
        ],
    )
    def sck(x_hbm, et_hbm, mul_hbm, bias_hbm, y_hbm,
            idx_v, x_v, y_v, mul_v, bias_v, s0, s1, s2, s3):
        wid = lax.axis_index("s") * nc + lax.axis_index("c")
        base = wid * per_w
        c0 = pltpu.async_copy(mul_hbm, mul_v, s0)
        c1 = pltpu.async_copy(bias_hbm, bias_v, s1)
        c2 = pltpu.async_copy(et_hbm.at[pl.ds(base, per_w)], idx_v, s2)
        c3 = pltpu.async_copy(x_hbm.at[pl.ds(base, per_w)], x_v, s3)
        c0.wait()
        c1.wait()
        c2.wait()
        c3.wait()

        @plsc.parallel_loop(0, per_w, _CHUNK, unroll=8)
        def body(o):
            idx = idx_v[pl.ds(o, _CHUNK)]
            xv = x_v[pl.ds(o, _CHUNK)]
            m = plsc.load_gather(mul_v, [idx])
            b = plsc.load_gather(bias_v, [idx])
            y_v[pl.ds(o, _CHUNK)] = m * xv + b

        pltpu.sync_copy(y_v, y_hbm.at[pl.ds(base, per_w)])

    return sck(x_flat, et_flat, mul_flat, bias_flat)


def _tc_gaussian_body(y_ref, means_ref, stds_ref, o_ref):
    mean = means_ref[...].reshape(1, 1, _K)
    std = jnp.abs(stds_ref[...]).reshape(1, 1, _K) + 1e-05
    inv = 1.0 / std
    coef = inv * (1.0 / ((2.0 * 3.14159) ** 0.5))
    c2 = inv * inv * -0.5
    y = y_ref[...][:, :, None]
    d = y - mean
    o_ref[...] = jnp.exp(d * d * c2) * coef


def _tc_gaussian(y_flat, means, stds):
    rows = _N // 128
    r = 256
    grid = rows // r
    return pl.pallas_call(
        _tc_gaussian_body,
        grid=(grid,),
        in_specs=[
            pl.BlockSpec((r, 128), lambda i: (i, 0)),
            pl.BlockSpec((1, _K), lambda i: (0, 0)),
            pl.BlockSpec((1, _K), lambda i: (0, 0)),
        ],
        out_specs=pl.BlockSpec((r, 128, _K), lambda i: (i, 0, 0)),
        out_shape=jax.ShapeDtypeStruct((rows, 128, _K), jnp.float32),
        compiler_params=pltpu.CompilerParams(
            dimension_semantics=("arbitrary",),
        ),
    )(y_flat.reshape(rows, 128), means, stds)


def kernel(x, edge_type, means, stds, mul_table, bias_table):
    b, n, m = x.shape
    x_flat = x.reshape(_N)
    et_flat = edge_type.reshape(_N).astype(jnp.int32)
    y_flat = _sc_gather_affine(
        x_flat, et_flat, mul_table.reshape(-1), bias_table.reshape(-1)
    )
    out = _tc_gaussian(y_flat, means, stds)
    return out.reshape(b, n, m, _K)

# --- scband reference (transcript-rebuilt; emitter-appended) ---
"""Pipeline reference for scband-gaussian-layer-52166672777613 (READ-ONLY COPY).

The authoritative reference and input builder live on the scoring server;
editing this copy changes nothing except your own understanding.
"""

import jax, jax.numpy as jnp
import numpy as np

K = 128
EDGE_TYPES = 1024

def setup_inputs(seed: int = 0) -> dict:
    key = jax.random.key(seed)
    k1, k2, k3, k4 = jax.random.split(key, 4)
    x = jax.random.normal(k1, (16, 128, 128), dtype=jnp.float32)
    edge_type = jax.random.randint(k2, (16, 128, 128), 0, EDGE_TYPES)
    means = jax.random.uniform(k3, (1, K), minval=0.0, maxval=3.0, dtype=jnp.float32)
    stds = jax.random.uniform(k4, (1, K), minval=0.0, maxval=3.0, dtype=jnp.float32)
    mul_table = jnp.ones((EDGE_TYPES, 1), dtype=jnp.float32)
    bias_table = jnp.zeros((EDGE_TYPES, 1), dtype=jnp.float32)
    return {"x": x, "edge_type": edge_type, "means": means, "stds": stds, "mul_table": mul_table, "bias_table": bias_table}

def _gaussian(x, mean, std):
    pi = 3.14159
    a = (2 * pi) ** 0.5
    return jnp.exp(-0.5 * ((x - mean) / std) ** 2) / (a * std)

def reference(x, edge_type, means, stds, mul_table, bias_table):
    # embedding gathers for per-edge-type scale and bias
    mul = jnp.take(mul_table, edge_type, axis=0)    # (b, N, N, 1)
    bias = jnp.take(bias_table, edge_type, axis=0)  # (b, N, N, 1)
    xx = mul * jnp.expand_dims(x, axis=-1) + bias   # (b, N, N, 1)
    xx = jnp.tile(xx, (1, 1, 1, K))                 # (b, N, N, K)
    mean = jnp.reshape(means, (-1,))                # (K,)
    std = jnp.abs(jnp.reshape(stds, (-1,))) + 1e-05 # (K,)
    return _gaussian(xx, mean, std)

if __name__ == "__main__":
    import jax
    _d = setup_inputs()
    print(jax.jit(kernel)(*tuple(_d.values())))

</pallas_src>

<mosaic_0001>
#map = affine_map<(d0, d1) -> (0)>
module attributes {stable_mosaic.version = 14 : i64} {
  func.func @sck(%arg0: i32, %arg1: i32, %arg2: memref<262144xf32, #tpu.memory_space<hbm>>, %arg3: memref<262144xi32, #tpu.memory_space<hbm>>, %arg4: memref<1024xf32, #tpu.memory_space<hbm>>, %arg5: memref<1024xf32, #tpu.memory_space<hbm>>, %arg6: memref<262144xf32, #tpu.memory_space<hbm>>, %arg7: memref<8192xi32, #tpu.memory_space<vmem>>, %arg8: memref<8192xf32, #tpu.memory_space<vmem>>, %arg9: memref<8192xf32, #tpu.memory_space<vmem>>, %arg10: memref<1024xf32, #tpu.memory_space<vmem>>, %arg11: memref<1024xf32, #tpu.memory_space<vmem>>, %arg12: memref<!tpu.dma_semaphore, #tpu.memory_space<semaphore_mem>>, %arg13: memref<!tpu.dma_semaphore, #tpu.memory_space<semaphore_mem>>, %arg14: memref<!tpu.dma_semaphore, #tpu.memory_space<semaphore_mem>>, %arg15: memref<!tpu.dma_semaphore, #tpu.memory_space<semaphore_mem>>) attributes {dimension_semantics = [#tpu.dimension_semantics<core_parallel>, #tpu.dimension_semantics<subcore_parallel>], iteration_bounds = array<i64: 2, 16>, scalar_prefetch = 0 : i64, scratch_operands = 9 : i64, tpu.core_type = #tpu.core_type<sc_vector_subcore>, window_params = [{transform_indices = #map}, {transform_indices = #map}, {transform_indices = #map}, {transform_indices = #map}, {transform_indices = #map}]} {
    %mul3A = arith.constant 2 : i32
    %mul3A_0 = arith.muli %arg1, %mul3A : i32
    %add3A = arith.addi %mul3A_0, %arg0 : i32
    %mul3A_1 = arith.constant 8192 : i32
    %mul3A_2 = arith.muli %add3A, %mul3A_1 : i32
    tpu.enqueue_dma source(%arg4 : memref<1024xf32, #tpu.memory_space<hbm>>) target(%arg10 : memref<1024xf32, #tpu.memory_space<vmem>>) target_semaphore(%arg12 : memref<!tpu.dma_semaphore, #tpu.memory_space<semaphore_mem>>)
    tpu.enqueue_dma source(%arg5 : memref<1024xf32, #tpu.memory_space<hbm>>) target(%arg11 : memref<1024xf32, #tpu.memory_space<vmem>>) target_semaphore(%arg13 : memref<!tpu.dma_semaphore, #tpu.memory_space<semaphore_mem>>)
    %dma_start3A = tpu.memref_slice %arg3[%mul3A_2] : memref<262144xi32, #tpu.memory_space<hbm>> -> memref<8192xi32, #tpu.memory_space<hbm>>
    %dma_start3A_3 = tpu.memref_slice %arg3[%mul3A_2] : memref<262144xi32, #tpu.memory_space<hbm>> -> memref<8192xi32, #tpu.memory_space<hbm>>
    tpu.enqueue_dma source(%dma_start3A_3 : memref<8192xi32, #tpu.memory_space<hbm>>) target(%arg7 : memref<8192xi32, #tpu.memory_space<vmem>>) target_semaphore(%arg14 : memref<!tpu.dma_semaphore, #tpu.memory_space<semaphore_mem>>)
    %dma_start3A_4 = tpu.memref_slice %arg2[%mul3A_2] : memref<262144xf32, #tpu.memory_space<hbm>> -> memref<8192xf32, #tpu.memory_space<hbm>>
    %dma_start3A_5 = tpu.memref_slice %arg2[%mul3A_2] : memref<262144xf32, #tpu.memory_space<hbm>> -> memref<8192xf32, #tpu.memory_space<hbm>>
    tpu.enqueue_dma source(%dma_start3A_5 : memref<8192xf32, #tpu.memory_space<hbm>>) target(%arg8 : memref<8192xf32, #tpu.memory_space<vmem>>) target_semaphore(%arg15 : memref<!tpu.dma_semaphore, #tpu.memory_space<semaphore_mem>>)
    tpu.wait_dma2 semaphore(%arg12 : memref<!tpu.dma_semaphore, #tpu.memory_space<semaphore_mem>>) src(%arg4 : memref<1024xf32, #tpu.memory_space<hbm>>) dst(%arg10 : memref<1024xf32, #tpu.memory_space<vmem>>)
    tpu.wait_dma2 semaphore(%arg13 : memref<!tpu.dma_semaphore, #tpu.memory_space<semaphore_mem>>) src(%arg5 : memref<1024xf32, #tpu.memory_space<hbm>>) dst(%arg11 : memref<1024xf32, #tpu.memory_space<vmem>>)
    %dma_wait3A = tpu.memref_slice %arg3[%mul3A_2] : memref<262144xi32, #tpu.memory_space<hbm>> -> memref<8192xi32, #tpu.memory_space<hbm>>
    %dma_wait3A_6 = tpu.memref_slice %arg3[%mul3A_2] : memref<262144xi32, #tpu.memory_space<hbm>> -> memref<8192xi32, #tpu.memory_space<hbm>>
    tpu.wait_dma2 semaphore(%arg14 : memref<!tpu.dma_semaphore, #tpu.memory_space<semaphore_mem>>) src(%dma_wait3A_6 : memref<8192xi32, #tpu.memory_space<hbm>>) dst(%arg7 : memref<8192xi32, #tpu.memory_space<vmem>>)
    %dma_wait3A_7 = tpu.memref_slice %arg2[%mul3A_2] : memref<262144xf32, #tpu.memory_space<hbm>> -> memref<8192xf32, #tpu.memory_space<hbm>>
    %dma_wait3A_8 = tpu.memref_slice %arg2[%mul3A_2] : memref<262144xf32, #tpu.memory_space<hbm>> -> memref<8192xf32, #tpu.memory_space<hbm>>
    tpu.wait_dma2 semaphore(%arg15 : memref<!tpu.dma_semaphore, #tpu.memory_space<semaphore_mem>>) src(%dma_wait3A_8 : memref<8192xf32, #tpu.memory_space<hbm>>) dst(%arg8 : memref<8192xf32, #tpu.memory_space<vmem>>)
    %parallel_loop3A = arith.constant 0 : i32
    %parallel_loop3A_9 = arith.constant 8192 : i32
    %parallel_loop3A_10 = arith.constant 16 : i32
    scf.for %parallel_loop3A_11 = %parallel_loop3A to %parallel_loop3A_9 step %parallel_loop3A_10  : i32 {
      %parallel_loop3A_12 = arith.index_cast %parallel_loop3A_11 : i32 to index
      %parallel_loop3A_13 = tpu.vector_load %arg7[%parallel_loop3A_12] {strides = array<i32>} : memref<8192xi32, #tpu.memory_space<vmem>>, vector<16xi32>,
      %parallel_loop3A_14 = arith.index_cast %parallel_loop3A_11 : i32 to index
      %parallel_loop3A_15 = tpu.vector_load %arg8[%parallel_loop3A_14] {strides = array<i32>} : memref<8192xf32, #tpu.memory_space<vmem>>, vector<16xf32>,
      %parallel_loop3A_16 = tpu.vector_load_idx %arg10[%parallel_loop3A_13] : memref<1024xf32, #tpu.memory_space<vmem>>[vector<16xi32>], vector<16xf32>,
      %parallel_loop3A_17 = tpu.vector_load_idx %arg11[%parallel_loop3A_13] : memref<1024xf32, #tpu.memory_space<vmem>>[vector<16xi32>], vector<16xf32>,
      %parallel_loop3A_18 = arith.mulf %parallel_loop3A_16, %parallel_loop3A_15 : vector<16xf32>
      %parallel_loop3A_19 = arith.addf %parallel_loop3A_18, %parallel_loop3A_17 : vector<16xf32>
      %parallel_loop3A_20 = arith.index_cast %parallel_loop3A_11 : i32 to index
      %parallel_loop3A_21 = tpu.vector_load %arg9[%parallel_loop3A_20] {strides = array<i32>} : memref<8192xf32, #tpu.memory_space<vmem>>, vector<16xf32>,
      tpu.vector_store %arg9[%parallel_loop3A_20], %parallel_loop3A_19 {strides = array<i32>} : memref<8192xf32, #tpu.memory_space<vmem>>, vector<16xf32>,
    } {sc.loop_unroll_factor = 8 : i64, sc.parallel_access}
    "tpu.region"() ({
      %run_scoped3A = tpu.sem_alloc : memref<!tpu.dma_semaphore, #tpu.memory_space<semaphore_mem>>
      %dma_start3A_11 = tpu.memref_slice %arg6[%mul3A_2] : memref<262144xf32, #tpu.memory_space<hbm>> -> memref<8192xf32, #tpu.memory_space<hbm>>
      %dma_start3A_12 = tpu.memref_slice %arg6[%mul3A_2] : memref<262144xf32, #tpu.memory_space<hbm>> -> memref<8192xf32, #tpu.memory_space<hbm>>
      tpu.enqueue_dma source(%arg9 : memref<8192xf32, #tpu.memory_space<vmem>>) target(%dma_start3A_12 : memref<8192xf32, #tpu.memory_space<hbm>>) target_semaphore(%run_scoped3A : memref<!tpu.dma_semaphore, #tpu.memory_space<semaphore_mem>>)
      %dma_wait3A_13 = tpu.memref_slice %arg6[%mul3A_2] : memref<262144xf32, #tpu.memory_space<hbm>> -> memref<8192xf32, #tpu.memory_space<hbm>>
      %dma_wait3A_14 = tpu.memref_slice %arg6[%mul3A_2] : memref<262144xf32, #tpu.memory_space<hbm>> -> memref<8192xf32, #tpu.memory_space<hbm>>
      tpu.wait_dma2 semaphore(%run_scoped3A : memref<!tpu.dma_semaphore, #tpu.memory_space<semaphore_mem>>) src(%arg9 : memref<8192xf32, #tpu.memory_space<vmem>>) dst(%dma_wait3A_14 : memref<8192xf32, #tpu.memory_space<hbm>>)
      tpu.yield
    }) : () -> ()
    return
  }
}

module attributes {stable_mosaic.version = 14 : i64} {
  func.func @_tc_gaussian_body(%arg0: i32, %arg1: memref<256x128xf32, #tpu.memory_space<vmem>>, %arg2: memref<1x128xf32, #tpu.memory_space<vmem>>, %arg3: memref<1x128xf32, #tpu.memory_space<vmem>>, %arg4: memref<256x128x128xf32, #tpu.memory_space<vmem>>) attributes {dimension_semantics = [#tpu.dimension_semantics<arbitrary>], iteration_bounds = array<i64: 8>, scalar_prefetch = 0 : i64, scratch_operands = 0 : i64, tpu.core_type = #tpu.core_type<tc>, window_params = [{transform_indices = @transform_0, window_bounds = array<i64: 256, 128>}, {pipeline_mode = #tpu.pipeline_mode<synchronous>, transform_indices = @transform_1, window_bounds = array<i64: 1, 128>}, {pipeline_mode = #tpu.pipeline_mode<synchronous>, transform_indices = @transform_2, window_bounds = array<i64: 1, 128>}, {transform_indices = @transform_3, window_bounds = array<i64: 256, 128, 128>}]} {
    %get3A = arith.constant 0 : index
    %get3A_0 = arith.constant 0 : index
    %get3A_1 = vector.load %arg2[%get3A, %get3A_0] : memref<1x128xf32, #tpu.memory_space<vmem>>, vector<1x128xf32>
    %reshape3A = vector.shape_cast %get3A_1 : vector<1x128xf32> to vector<1x1x128xf32>
    %get3A_2 = arith.constant 0 : index
    %get3A_3 = arith.constant 0 : index
    %get3A_4 = vector.load %arg3[%get3A_2, %get3A_3] : memref<1x128xf32, #tpu.memory_space<vmem>>, vector<1x128xf32>
    %abs3A = math.absf %get3A_4 : vector<1x128xf32>
    %reshape3A_5 = vector.shape_cast %abs3A : vector<1x128xf32> to vector<1x1x128xf32>
    %add3A = arith.constant 9.99999974E-6 : f32
    %add3A_6 = vector.broadcast %add3A : f32 to vector<1x1x128xf32>
    %add3A_7 = arith.addf %reshape3A_5, %add3A_6 : vector<1x1x128xf32>
    %div3A = arith.constant 1.000000e+00 : f32
    %div3A_8 = vector.broadcast %div3A : f32 to vector<1x1x128xf32>
    %div3A_9 = arith.divf %div3A_8, %add3A_7 : vector<1x1x128xf32>
    %mul3A = arith.constant 0.398942441 : f32
    %mul3A_10 = vector.broadcast %mul3A : f32 to vector<1x1x128xf32>
    %mul3A_11 = arith.mulf %div3A_9, %mul3A_10 : vector<1x1x128xf32>
    %mul3A_12 = arith.mulf %div3A_9, %div3A_9 : vector<1x1x128xf32>
    %mul3A_13 = arith.constant -5.000000e-01 : f32
    %mul3A_14 = vector.broadcast %mul3A_13 : f32 to vector<1x1x128xf32>
    %mul3A_15 = arith.mulf %mul3A_12, %mul3A_14 : vector<1x1x128xf32>
    %get3A_16 = arith.constant 0 : index
    %get3A_17 = arith.constant 0 : index
    %get3A_18 = vector.load %arg1[%get3A_16, %get3A_17] : memref<256x128xf32, #tpu.memory_space<vmem>>, vector<256x128xf32>
    %broadcast_in_dim3A = vector.shape_cast %get3A_18 : vector<256x128xf32> to vector<256x128x1xf32>
    %sub3A = vector.broadcast %broadcast_in_dim3A : vector<256x128x1xf32> to vector<256x128x128xf32>
    %sub3A_19 = vector.broadcast %reshape3A : vector<1x1x128xf32> to vector<256x128x128xf32>
    %sub3A_20 = arith.subf %sub3A, %sub3A_19 : vector<256x128x128xf32>
    %mul3A_21 = arith.mulf %sub3A_20, %sub3A_20 : vector<256x128x128xf32>
    %mul3A_22 = vector.broadcast %mul3A_15 : vector<1x1x128xf32> to vector<256x128x128xf32>
    %mul3A_23 = arith.mulf %mul3A_21, %mul3A_22 : vector<256x128x128xf32>
    %exp3A = math.exp %mul3A_23 : vector<256x128x128xf32>
    %mul3A_24 = vector.broadcast %mul3A_11 : vector<1x1x128xf32> to vector<256x128x128xf32>
    %mul3A_25 = arith.mulf %exp3A, %mul3A_24 : vector<256x128x128xf32>
    %swap3A = arith.constant 0 : index
    %swap3A_26 = arith.constant 0 : index
    %swap3A_27 = arith.constant 0 : index
    %swap3A_28 = vector.load %arg4[%swap3A, %swap3A_26, %swap3A_27] : memref<256x128x128xf32, #tpu.memory_space<vmem>>, vector<256x128x128xf32>
    tpu.vector_store %arg4[%swap3A, %swap3A_26, %swap3A_27], %mul3A_25 {strides = array<i32>} : memref<256x128x128xf32, #tpu.memory_space<vmem>>, vector<256x128x128xf32>,
    return
  }
  func.func @transform_0(%arg0: i32) -> (i32, i32) {
    %c0_i32 = arith.constant 0 : i32
    %c0_i32_0 = arith.constant 0 : i32
    return %arg0, %c0_i32 : i32, i32
  }
  func.func @transform_1(%arg0: i32) -> (i32, i32) {
    %c0_i32 = arith.constant 0 : i32
    %c0_i32_0 = arith.constant 0 : i32
    %c0_i32_1 = arith.constant 0 : i32
    return %c0_i32, %c0_i32_0 : i32, i32
  }
  func.func @transform_2(%arg0: i32) -> (i32, i32) {
    %c0_i32 = arith.constant 0 : i32
    %c0_i32_0 = arith.constant 0 : i32
    %c0_i32_1 = arith.constant 0 : i32
    return %c0_i32, %c0_i32_0 : i32, i32
  }
  func.func @transform_3(%arg0: i32) -> (i32, i32, i32) {
    %c0_i32 = arith.constant 0 : i32
    %c0_i32_0 = arith.constant 0 : i32
    %c0_i32_1 = arith.constant 0 : i32
    return %arg0, %c0_i32, %c0_i32_0 : i32, i32, i32
  }
}

</mosaic_0001>

<sc_bundles>
// kernel: kernel.4.cloned.1.call-start
scs
__scs_entry_jumppad:
0x0: {  	(pc) =	sbr.rel $0x88, $3  }
0x1: {  	(tag) =	ssettag $0x0;
	lr =	simm.s32 $0x1  }
0x2: {  	[smem:$0x3F9B] =	sst lr;
	_ =	strace $0xD0000000  }
0x3: {  	_ = 	snop  }
0x4: {  	_ = 	snop  }
0x5: {  	_ = 	snop  }
0x6: {  	_ = 	snop  }
0x7: {  	_ = 	snop  }
__scs_overlays_trampoline_lowered:
0x8: {  	[smem:$0x3FAA] =	sst s0  }
0x9: {  	[smem:$0x3FAB] =	sst s1  }
0xa: {  	[smem:$0x3FAC] =	sst s2  }
0xb: {  	[smem:$0x3FAD] =	sst s3  }
0xc: {  	[smem:$0x3FAE] =	sst s4  }
0xd: {  	[smem:$0x3FAF] =	sst s5  }
0xe: {  	[smem:$0x3FB0] =	sst s6  }
0xf: {  	[smem:$0x3FB1] =	sst s7  }
0x10: {  	[smem:$0x3FB2] =	sst s8  }
0x11: {  	[smem:$0x3FB3] =	sst s9;
	s0 =	simm.s32 @!p0 $0x0  }
0x12: {  	s1 =	sld [smem:$0x3F99];
	s0 =	simm.s32 @p0 $0x1  }
0x13: {  	[smem:$0x3FB4] =	sst s0;
	s0 =	simm.s32 @!p1 $0x0  }
0x14: {  	s2 =	sld [smem:$0x3F98];
	s0 =	simm.s32 @p1 $0x1  }
0x15: {  	[smem:$0x3FB5] =	sst s0;
	s0 =	simm.s32 @!p2 $0x0  }
0x16: {  	s3 =	sld [smem:$0x3FDB];
	s0 =	simm.s32 @p2 $0x1  }
0x17: {  	s4 =	simm.s32 $0x1BF5;
	[smem:$0x3FB7] =	sst s0  }
0x18: {  	s0 =	sld [smem:$0x3F9A];
	_ =	swait.ge [sflag:s4], $0x0  }
0x19: {  	s7 =	sld [smem:$0x3F9B]  }
0x1a: {  	s8 =	sadd.s32 $0xFFFFE003, lr  }
0x1b: {  	s9 =	sadd.s32 $0xFFFFFEF7, lr;
	s5 =	simm.s32 $0xFFFFFFFF;
	p2 =	slt.u32 s8, $0xFFFFF086  }
0x1c: {  	p1 =	slt.u32 s9, $0xF7A;
	s5 =	simm.s32 @!p2 $0x0  }
0x1d: {  	s5 =	simm.s32 @p1 $0x1;
	p0 =	seq.s32 s7, s2  }
0x1e: {  	s7 =	smul.u32 @!p0 $0xF7A, s2;
	p2 =	seq.s32 @!p0 s5, $0x0  }
0x1f: {  	s9 =	smul.u32 $0xF7A, s1;
	s8 =	simm.s32 @!p0 $0x1BF5;
	p2 =	por !p2, p0  }
0x20: {  	[sflag:s8] =	ssyncset.s32 @!p0 $0xFFFFF086;
	s6 =	sadd.s32 @!p0 s3, s7;
	s7 =	simm.s32 @!p0 $0x108  }
0x21: {  	s3 =	sadd.s32 s3, s9;
	s6 =	sadd.s32 @!p0 $0x88, s6;
	s7 =	simm.s32 @p2 $0x1082  }
0x22: {  	[simem:s7], [sflag:s8] =	dma.local @!p0 [hbm:s6], $0xF7A  }
0x23: {  	s9 =	sor.u32 $0xD0000000, s2;
	s6 =	simm.s32 $0x108;
	_ =	swait.ge @!p0 [sflag:s8], $0x0  }
0x24: {  	s3 =	sadd.s32 $0x88, s3;
	s6 =	simm.s32 @!p1 $0x1082;
	[sflag:s4] =	ssyncset.s32 $0xFFFFF086  }
0x25: {  	[simem:s6], [sflag:s4] =	dma.local [hbm:s3], $0xF7A  }
0x26: {  	[smem:$0x3F9B] =	sst s1;
	(tag) =	ssettag s2;
	_ =	strace s9  }
0x27: {  	s1 =	sld [smem:$0x3FAB]  }
0x28: {  	s2 =	sld [smem:$0x3FAC]  }
0x29: {  	s4 =	sld [smem:$0x3FAE]  }
0x2a: {  	p0 =	seq.s32 s5, $0x0;
	s5 =	sld [smem:$0x3FAF]  }
0x2b: {  	s6 =	sld [smem:$0x3FB0]  }
0x2c: {  	s7 =	sld [smem:$0x3FB1]  }
0x2d: {  	s3 =	simm.s32 $0x108;
	s8 =	sld [smem:$0x3FB2]  }
0x2e: {  	s3 =	simm.s32 @!p0 $0x1082;
	s9 =	sld [smem:$0x3FB3]  }
0x2f: {  	lr =	sadd.s32 s0, s3;
	s0 =	sld [smem:$0x3FAA]  }
0x30: {  	s3 =	sld [smem:$0x3FAD]  }
0x31: {  	[smem:$0x3FB6] =	sst s10  }
0x32: {  	s10 =	sld [smem:$0x3FB4];
	_ =	sdelay $0x3  }
0x33: {  	p0 =	seq.s32 s10, $0x1;
	s10 =	sld [smem:$0x3FB6];
	_ =	sdelay $0x3  }
0x34: {  	[smem:$0x3FB6] =	sst s10  }
0x35: {  	s10 =	sld [smem:$0x3FB5];
	_ =	sdelay $0x3  }
0x36: {  	p1 =	seq.s32 s10, $0x1;
	s10 =	sld [smem:$0x3FB6];
	_ =	sdelay $0x3  }
0x37: {  	[smem:$0x3FB6] =	sst s10  }
0x38: {  	s10 =	sld [smem:$0x3FB7]  }
0x39: {  	_ = 	snop;
	(pc) =	sbr.ind lr, $3  }
0x3a: {  	_ = 	snop  }
0x3b: {  	_ = 	snop  }
0x3c: {  	p2 =	seq.s32 s10, $0x1;
	s10 =	sld [smem:$0x3FB6]  }
0x3d: {  	_ =	shalt  }
0x3e: {  	_ =	shalt  }
0x3f: {  	_ =	shalt  }
0x40: {  	_ =	shalt  }
0x41: {  	_ =	shalt  }
0x42: {  	_ =	shalt  }
0x43: {  	_ =	shalt  }
0x44: {  	_ =	shalt  }
0x45: {  	_ =	shalt  }
0x46: {  	_ =	shalt  }
0x47: {  	_ =	shalt  }
0x48: {  	_ =	shalt  }
0x49: {  	_ =	shalt  }
0x4a: {  	_ =	shalt  }
0x4b: {  	_ =	shalt  }
0x4c: {  	_ =	shalt  }
0x4d: {  	_ =	shalt  }
0x4e: {  	_ =	shalt  }
0x4f: {  	_ =	shalt  }
0x50: {  	_ =	shalt  }
0x51: {  	_ =	shalt  }
0x52: {  	_ =	shalt  }
0x53: {  	_ =	shalt  }
0x54: {  	_ =	shalt  }
0x55: {  	_ =	shalt  }
0x56: {  	_ =	shalt  }
0x57: {  	_ =	shalt  }
0x58: {  	_ =	shalt  }
0x59: {  	_ =	shalt  }
0x5a: {  	_ =	shalt  }
0x5b: {  	_ =	shalt  }
0x5c: {  	_ =	shalt  }
0x5d: {  	_ =	shalt  }
0x5e: {  	_ =	shalt  }
0x5f: {  	_ =	shalt  }
0x60: {  	_ =	shalt  }
0x61: {  	_ =	shalt  }
0x62: {  	_ =	shalt  }
0x63: {  	_ =	shalt  }
0x64: {  	_ =	shalt  }
0x65: {  	_ =	shalt  }
0x66: {  	_ =	shalt  }
0x67: {  	_ =	shalt  }
0x68: {  	_ =	shalt  }
0x69: {  	_ =	shalt  }
0x6a: {  	_ =	shalt  }
0x6b: {  	_ =	shalt  }
0x6c: {  	_ =	shalt  }
0x6d: {  	_ =	shalt  }
0x6e: {  	_ =	shalt  }
0x6f: {  	_ =	shalt  }
0x70: {  	_ =	shalt  }
0x71: {  	_ =	shalt  }
0x72: {  	_ =	shalt  }
0x73: {  	_ =	shalt  }
0x74: {  	_ =	shalt  }
0x75: {  	_ =	shalt  }
0x76: {  	_ =	shalt  }
0x77: {  	_ =	shalt  }
0x78: {  	_ =	shalt  }
0x79: {  	_ =	shalt  }
0x7a: {  	_ =	shalt  }
0x7b: {  	_ =	shalt  }
0x7c: {  	_ =	shalt  }
0x7d: {  	_ =	shalt  }
0x7e: {  	_ =	shalt  }
0x7f: {  	_ =	shalt  }
0x80: {  	_ =	shalt  }
0x81: {  	_ =	shalt  }
0x82: {  	_ =	shalt  }
0x83: {  	_ =	shalt  }
0x84: {  	_ =	shalt  }
0x85: {  	_ =	shalt  }
0x86: {  	_ =	shalt  }
0x87: {  	_ =	shalt  }
.Lfunc_end0:
.L_simem_size_0:
called_computation_lowered:
.L_overlay_start_0:
0x88: {  	s2 =	sld [smem:$0x3FD9]  }
0x89: {  	s3 =	sld [smem:$0x3FFE];
	_ =	sdelay $0x1  }
0x8a: {  	s1 =	srdreg.scid  }
0x8b: {  	s0 =	sand.u32 $0x1, s1  }
0x8c: {  	s18 =	sshll.u32 s0, $0xA;
	s2 =	sadd.s32 s3, s2  }
0x8d: {  	s2 =	sadd.s32 s2, s18  }
0x8e: {  	[smem:$0x3FC2] =	sst s2  }
0x8f: {  	_ = 	snop  }
0x90: {  	s2 =	sld [smem:$0x3FC9]  }
0x91: {  	s19 =	sld [smem:$0x3FC8]  }
0x92: {  	s4 =	sld [smem:$0x3FC5]  }
0x93: {  	s5 =	sld [smem:$0x3FC4]  }
0x94: {  	s6 =	sld [smem:$0x3FD0];
	(tm) =	ssettm $0x1  }
0x95: {  	s7 =	sld [smem:$0x3FFB];
	_ =	sdelay $0x3  }
0x96: {  	_ =	strace s7  }
0x97: {  	s7 =	sld [smem:$0x3FFC];
	_ =	sdelay $0x3  }
0x98: {  	_ =	strace s7  }
0x99: {  	s7 =	sld [smem:$0x3FFD];
	_ =	sdelay $0x3  }
0x9a: {  	_ =	strace s7  }
0x9b: {  	_ =	strace $0x8FFFFFFF  }
0x9c: {  	s20 =	sld [smem:$0x3FDB];
	_ =	sdelay $0x1  }
0x9d: {  	s8 =	simm.s32 $_scs_section_size  }
0x9e: {  	s9 =	simm.s32 $_size__tile_overlayer_lowered;
	s10 =	simm.s32 $_tile_overlayer_lowered  }
0x9f: {  	s23 =	simm.s32 $0x1BFF;
	s22 =	sshll.u32 s10, $0x1;
	s7 =	sadd.s32 s8, s20  }
0xa0: {  	s11 =	simm.s32 $0x0;
	s21 =	sshll.u32 s9, $0x1;
	s9 =	sadd.s32 s22, s7  }
0xa1: {  	[timem:s11], [sflag:s23] =	dma.local [hbm:s9], s21  }
0xa2: {  	_ =	swait.ge [sflag:s23], s21  }
0xa3: {  	s8 =	ssub.s32 $0x0, s21;
	[sflag:s23] =	ssyncset.done $0x0  }
0xa4: {  	[sflag:s23] =	ssyncadd.s32 s8;
	_ =	sdelay $0x1  }
0xa5: {  	s24 =	simm.s32 $0x1B8B  }
0xa6: {  	_ =	swait.ge [sflag:s24], $0x1  }
0xa7: {  	[sflag:s24] =	ssyncset.done $0x0  }
0xa8: {  	s25 =	simm.s32 $0x1B8E;
	[sflag:s24] =	ssyncadd.s32 $0xFFFFFFFF  }
0xa9: {  	s26 =	simm.s32 $execute0_lowered;
	[smem:$0x3FD2] =	sst s25  }
0xaa: {  	s8 =	sshll.u32 s26, $0x1;
	_ =	strace $0x80000046;
	[dreg:$0x1] =	wrdreg $0xFFFFFFFF  }
0xab: {  	s28 =	simm.s32 $_size_execute0_lowered;
	s7 =	sadd.s32 s7, s8;
	[dreg:$0x0] =	wrdreg $0x0  }
0xac: {  	s8 =	sshll.u32 s28, $0x1;
	[dreg:$0x2] =	wrdreg s7  }
0xad: {  	[dreg:$0x3] =	wrdreg s8  }
0xae: {  	[dreg:$0x4] =	wrdreg $0xC0  }
0xaf: {  	_ =	task [dreg:s11], $0x5FFFF  }
0xb0: {  	[dreg:$0x1] =	wrdreg $0xFFFFFFFF  }
0xb1: {  	[dreg:$0x0] =	wrdreg $0x60  }
0xb2: {  	[dreg:$0x2] =	wrdreg s2  }
0xb3: {  	[dreg:$0x3] =	wrdreg s19  }
0xb4: {  	[dreg:$0x4] =	wrdreg s4  }
0xb5: {  	[dreg:$0x5] =	wrdreg s5  }
0xb6: {  	[dreg:$0x6] =	wrdreg s6  }
0xb7: {  	[dreg:$0x7] =	wrdreg $0x9  }
0xb8: {  	_ =	task.clear_ibuf [dreg:s11], $0x8FFFF;
	_ =	strace $0x90000046  }
0xb9: {  	s29 =	simm.s32 $0x9;
	_ =	strace $0x80000048  }
0xba: {  	_ =	swait.ge [sflag:s29], $0x1  }
0xbb: {  	[sflag:s29] =	ssyncadd.s32 $0xFFFFFFFF  }
0xbc: {  	_ =	strace $0x90000048  }
0xbd: {  	_ =	sfence  }
0xbe: {  	s30 =	sld [smem:$0x0];
	_ =	sdelay $0x2  }
0xbf: {  	s31 =	sshll.u32 s1, $0xD;
	s1 =	sshrl.u32 s1, $0x2  }
0xc0: {  	s3 =	sand.u32 $0x4000, s31;
	s1 =	sadd.s32 s1, s30  }
0xc1: {  	s0 =	sor.u32 s3, s0;
	s1 =	sshll.u32 s1, $0x11  }
0xc2: {  	s0 =	sor.u32 s1, s0  }
0xc3: {  	s0 =	sadd.s32 $0x8F2B, s0  }
0xc4: {  	[sflag:s0] =	ssyncadd.remote.s32 $0x1  }
0xc5: {  	_ =	sfence.sel $0xFFFF  }
0xc6: {  	[dreg:$0x0] =	wrdreg $0xFFFFFFFF;
	(pc) =	sbr.abs _section_cstart, $3  }
0xc7: {  	[dreg:$0x1] =	wrdreg $0xFFFFFFFF  }
0xc8: {  	_ =	task.clear_ibuf [dreg:s11], $0x2FFFF;
	_ =	strace $0x9FFFFFFF  }
0xc9: {  	(tm) =	ssettm $0x7FFFFFFF  }
tec
execute0_lowered:
.L_overlay_start_1:
0x0: {  	(tag) =	ssettag $0x1  }
0x1: {  	s6 =	rddreg [dreg:$0x0]  }
0x2: {  	s5 =	rddreg [dreg:$0x1]  }
0x3: {  	s1 =	rddreg [dreg:$0x2]  }
0x4: {  	s2 =	rddreg [dreg:$0x3]  }
0x5: {  	s7 =	rddreg [dreg:$0x4]  }
0x6: {  	s0 =	rddreg [dreg:$0x5];
	s4 =	simm.s32 $0x0;
	s8 =	srdreg.scid  }
0x7: {  	s3 =	stileid.u32;
	s12 =	simm.s32 $0x1;
	s13 =	simm.s32 $0x2  }
0x8: {  	s14 =	simm.s32 $0x3;
	s15 =	simm.s32 $0x4;
	s16 =	simm.s32 $0x4000  }
0x9: {  	s17 =	simm.s32 $0x5;
	s18 =	simm.s32 $0x0;
	s8 =	sand.u32 $0x1, s8  }
0xa: {  	[smem:$0x7FF] =	sst s4;
	s10 =	sshll.u32 s3, $0xB;
	s9 =	ssub.s32 $0x2, s8  }
0xb: {  	s8 =	sshll.u32 s8, $0xA;
	_ =	strace $0x80000047;
	s11 =	sshrl.u32 s9, $0x1  }
0xc: {  	s8 =	sor.u32 s8, s10;
	s10 =	simm.s32 $0x6400;
	s9 =	ssub.s32 s9, s11  }
0xd: {  	s5 =	sadd.s32 s5, s8;
	s6 =	sadd.s32 s6, s8;
	s7 =	sadd.s32 s7, s8  }
0xe: {  	s11 =	simm.s32 $0x2000;
	s8 =	smax.u32 s9, $0x1;
	s9 =	simm.s32 $0x6000  }
.LBB2_1:
0xf: {  	[tilespmem:s9], [sflag:$0x1] =	stream.linear.gather [hbm4b:s1+s4], $0x400, $0x38;
	[tilespmem:$0x6800] =	vst v63  }
0x10: {  	_ = 	snop  }
0x11: {  	[tilespmem:s10], [sflag:$0x2] =	stream.linear.gather [hbm4b:s2+s4], $0x400, $0x38;
	[tilespmem:$0x6800] =	vst v63  }
0x12: {  	_ = 	snop  }
0x13: {  	[tilespmem:s4], [sflag:$0x3] =	stream.linear.gather [hbm4b:s5+s4], $0x2000, $0x38;
	[tilespmem:$0x6800] =	vst v63  }
0x14: {  	_ = 	snop  }
0x15: {  	[tilespmem:s11], [sflag:$0x4] =	stream.linear.gather [hbm4b:s6+s4], $0x2000, $0x38;
	[tilespmem:$0x6800] =	vst v63  }
0x16: {  	_ =	swait.ge [sflag:s12], $0x400  }
0x17: {  	[sflag:s12] =	ssyncset.done $0x0  }
0x18: {  	[sflag:s12] =	ssyncadd.s32 $0xFFFFFC00  }
0x19: {  	_ =	swait.ge [sflag:s13], $0x400  }
0x1a: {  	[sflag:s13] =	ssyncset.done $0x0  }
0x1b: {  	[sflag:s13] =	ssyncadd.s32 $0xFFFFFC00  }
0x1c: {  	_ =	swait.ge [sflag:s14], $0x2000  }
0x1d: {  	[sflag:s14] =	ssyncset.done $0x0  }
0x1e: {  	[sflag:s14] =	ssyncadd.s32 $0xFFFFE000  }
0x1f: {  	_ =	swait.ge [sflag:s15], $0x2000  }
0x20: {  	[sflag:s15] =	ssyncset.done $0x0  }
0x21: {  	s19 =	simm.s32 $0x40;
	[sflag:s15] =	ssyncadd.s32 $0xFFFFE000  }
0x22: {  	v0 =	vld [tilespmem:s19+$0x30]  }
0x23: {  	v1 =	vld [tilespmem:s19+$0xFFFFFFD0]  }
0x24: {  	v2 =	vld [tilespmem:s19+$0xFFFFFFE0]  }
0x25: {  	v3 =	vld [tilespmem:s19+$0xFFFFFFF0]  }
0x26: {  	v6 =	vld [tilespmem:s19+$0x0]  }
0x27: {  	v9 =	vld [tilespmem:s19+$0x10]  }
0x28: {  	v11 =	vld [tilespmem:s19+$0x20]  }
0x29: {  	v4 =	vld [tilespmem:s19+$0xFFFFFFC0];
	s19 =	simm.s32 $0x2040  }
0x2a: {  	v7 =	vld [tilespmem:s19+$0x30]  }
0x2b: {  	v18 =	vld [tilespmem:s19+$0xFFFFFFC0]  }
0x2c: {  	v19 =	vld [tilespmem:s19+$0xFFFFFFD0]  }
0x2d: {  	v20 =	vld [tilespmem:s19+$0xFFFFFFE0]  }
0x2e: {  	v21 =	vld [tilespmem:s19+$0xFFFFFFF0]  }
0x2f: {  	v22 =	vld [tilespmem:s19+$0x0]  }
0x30: {  	v23 =	vld [tilespmem:s19+$0x10]  }
0x31: {  	v24 =	vld [tilespmem:s19+$0x20]  }
0x32: {  	v5 =	vld.idx.msk [tilespmem:v0+s9+$0x0], $0xffff  }
0x33: {  	v0 =	vld.idx.msk [tilespmem:v0+s10+$0x0], $0xffff  }
0x34: {  	v8 =	vld.idx.msk [tilespmem:v1+s9+$0x0], $0xffff  }
0x35: {  	v12 =	vld.idx.msk [tilespmem:v2+s9+$0x0], $0xffff  }
0x36: {  	v13 =	vld.idx.msk [tilespmem:v3+s9+$0x0], $0xffff  }
0x37: {  	v14 =	vld.idx.msk [tilespmem:v6+s9+$0x0], $0xffff  }
0x38: {  	v15 =	vld.idx.msk [tilespmem:v4+s9+$0x0], $0xffff  }
0x39: {  	v16 =	vld.idx.msk [tilespmem:v9+s9+$0x0], $0xffff  }
0x3a: {  	v17 =	vld.idx.msk [tilespmem:v11+s9+$0x0], $0xffff  }
0x3b: {  	v25 =	vld.idx.msk [tilespmem:v4+s10+$0x0], $0xffff  }
0x3c: {  	v10 =	vld.idx.msk [tilespmem:v1+s10+$0x0], $0xffff  }
0x3d: {  	v4 =	vld.idx.msk [tilespmem:v2+s10+$0x0], $0xffff  }
0x3e: {  	v9 =	vld.idx.msk [tilespmem:v9+s10+$0x0], $0xffff;
	v5 =	vmul.f32 v5, v7  }
0x3f: {  	v15 =	vmul.f32 v15, v18;
	v7 =	vld.idx.msk [tilespmem:v6+s10+$0x0], $0xffff  }
0x40: {  	v8 =	vmul.f32 v8, v19;
	v6 =	vmul.f32 v13, v21;
	v0 =	vadd.f32 v0, v5;
	v5 =	vld.idx.msk [tilespmem:v3+s10+$0x0], $0xffff  }
0x41: {  	s20 =	simm.s32 $0x4040;
	v11 =	vld.idx.msk [tilespmem:v11+s10+$0x0], $0xffff;
	v1 =	vmul.f32 v14, v22;
	v2 =	vmul.f32 v16, v23  }
0x42: {  	s21 =	simm.s32 $0x0;
	s22 =	simm.s32 $0xC0;
	v3 =	vmul.f32 v12, v20;
	v12 =	vadd.f32 v25, v15;
	[tilespmem:s20+$0x30] =	vst v0;
	v0 =	vmul.f32 v17, v24  }
.LBB2_2:
0x43: {  	v13 =	vld [tilespmem:s22+$0x30];
	s21 =	sadd.s32 $0x80, s21;
	v8 =	vadd.f32 v10, v8  }
0x44: {  	v3 =	vadd.f32 v4, v3;
	v10 =	vld [tilespmem:s22+$0xFFFFFFD0];
	p0 =	slt.u32 s21, $0x1F80;
	[tilespmem:s20+$0xFFFFFFC0] =	vst v12  }
0x45: {  	v5 =	vadd.f32 v5, v6;
	v4 =	vld [tilespmem:s22+$0xFFFFFFE0];
	[tilespmem:s20+$0xFFFFFFD0] =	vst v8  }
0x46: {  	v1 =	vadd.f32 v7, v1;
	v12 =	vld [tilespmem:s22+$0xFFFFFFF0];
	[tilespmem:s20+$0xFFFFFFE0] =	vst v3  }
0x47: {  	v2 =	vadd.f32 v9, v2;
	v7 =	vld [tilespmem:s22+$0x0];
	[tilespmem:s20+$0xFFFFFFF0] =	vst v5  }
0x48: {  	v0 =	vadd.f32 v11, v0;
	v9 =	vld [tilespmem:s22+$0x10];
	[tilespmem:s20+$0x0] =	vst v1  }
0x49: {  	v11 =	vld [tilespmem:s22+$0x20];
	[tilespmem:s20+$0x10] =	vst v2  }
0x4a: {  	v1 =	vld [tilespmem:s22+$0xFFFFFFC0];
	[tilespmem:s20+$0x20] =	vst v0  }
0x4b: {  	s19 =	sadd.s32 $0x80, s19;
	v0 =	vld.idx.msk [tilespmem:v13+s9+$0x0], $0xffff  }
0x4c: {  	v2 =	vld [tilespmem:s19+$0x30]  }
0x4d: {  	v3 =	vld.idx.msk [tilespmem:v13+s10+$0x0], $0xffff  }
0x4e: {  	v5 =	vld.idx.msk [tilespmem:v10+s9+$0x0], $0xffff  }
0x4f: {  	v6 =	vld.idx.msk [tilespmem:v4+s9+$0x0], $0xffff  }
0x50: {  	v13 =	vld.idx.msk [tilespmem:v12+s9+$0x0], $0xffff  }
0x51: {  	v14 =	vld.idx.msk [tilespmem:v7+s9+$0x0], $0xffff;
	v0 =	vmul.f32 v0, v2  }
0x52: {  	v2 =	vld.idx.msk [tilespmem:v1+s9+$0x0], $0xffff  }
0x53: {  	v15 =	vld.idx.msk [tilespmem:v9+s9+$0x0], $0xffff;
	v0 =	vadd.f32 v3, v0  }
0x54: {  	s20 =	sadd.s32 $0x80, s20;
	v16 =	vld.idx.msk [tilespmem:v11+s9+$0x0], $0xffff  }
0x55: {  	v3 =	vld [tilespmem:s19+$0xFFFFFFC0];
	[tilespmem:s20+$0x30] =	vst v0  }
0x56: {  	v0 =	vld [tilespmem:s19+$0xFFFFFFD0]  }
0x57: {  	v17 =	vld [tilespmem:s19+$0xFFFFFFE0]  }
0x58: {  	v18 =	vld [tilespmem:s19+$0xFFFFFFF0]  }
0x59: {  	v19 =	vld [tilespmem:s19+$0x0]  }
0x5a: {  	v20 =	vmul.f32 v2, v3;
	v2 =	vld [tilespmem:s19+$0x10]  }
0x5b: {  	v8 =	vmul.f32 v5, v0;
	v0 =	vld [tilespmem:s19+$0x20]  }
0x5c: {  	v21 =	vld.idx.msk [tilespmem:v1+s10+$0x0], $0xffff;
	v3 =	vmul.f32 v6, v17  }
0x5d: {  	v10 =	vld.idx.msk [tilespmem:v10+s10+$0x0], $0xffff;
	v6 =	vmul.f32 v13, v18  }
.Ltmp0:
0x5e: {  	v4 =	vld.idx.msk [tilespmem:v4+s10+$0x0], $0xffff;
	v1 =	vmul.f32 v14, v19;
	(pc) =	sbr.rel @p0 .LBB2_2-.Ltmp0, $4  }
0x5f: {  	v5 =	vld.idx.msk [tilespmem:v12+s10+$0x0], $0xffff;
	v2 =	vmul.f32 v15, v2  }
0x60: {  	v7 =	vld.idx.msk [tilespmem:v7+s10+$0x0], $0xffff;
	v0 =	vmul.f32 v16, v0  }
0x61: {  	v9 =	vld.idx.msk [tilespmem:v9+s10+$0x0], $0xffff  }
0x62: {  	s22 =	sadd.s32 $0x80, s22;
	v12 =	vadd.f32 v21, v20;
	v11 =	vld.idx.msk [tilespmem:v11+s10+$0x0], $0xffff  }
0x63: {  	v8 =	vadd.f32 v10, v8  }
0x64: {  	v3 =	vadd.f32 v4, v3;
	[tilespmem:s20+$0xFFFFFFC0] =	vst v12  }
0x65: {  	v63 =	vadd.f32 v5, v6;
	[tilespmem:s20+$0xFFFFFFD0] =	vst v8  }
0x66: {  	[tilespmem:s20+$0xFFFFFFE0] =	vst v3;
	v1 =	vadd.f32 v7, v1  }
0x67: {  	[tilespmem:s20+$0xFFFFFFF0] =	vst v63;
	v2 =	vadd.f32 v9, v2  }
0x68: {  	s18 =	sadd.s32 $0x1, s18;
	[tilespmem:s20+$0x0] =	vst v1;
	v0 =	vadd.f32 v11, v0  }
0x69: {  	p0 =	sne.s32 s18, s8;
	[tilespmem:s20+$0x10] =	vst v2  }
.Ltmp1:
0x6a: {  	[tilespmem:s20+$0x20] =	vst v0;
	(pc) =	sbr.rel @p0 .LBB2_1-.Ltmp1, $4  }
0x6b: {  	[hbm4b:s7+s4] =	stream.linear.scatter [tilespmem:s16], [sflag:$0x5], $0x2000, $0x38;
	[tilespmem:$0x6800] =	vst v63  }
0x6c: {  	_ =	swait.ge [sflag:s17], $0x2000  }
0x6d: {  	[sflag:s17] =	ssyncset.done $0x0  }
0x6e: {  	[sflag:s17] =	ssyncadd.s32 $0xFFFFE000  }
0x6f: {  	_ =	sfence.sel $0x180000  }
0x70: {  	[bflag:$0x0] =	sbarrier.arrive $0xFFFF  }
0x71: {  	p0 =	sne.s32 s3, $0x0;
	_ =	strace $0x90000047  }
0x72: {  	s0 =	sadd.s32 @!p0 $0x100000, s0;
	[bflag:$0x2] =	sbarrier.arrive $0xFFFF  }
0x73: {  	[sflag:s0] =	ssyncadd.tile.s32 @!p0 $0x1;
	_ =	shalt  }
.Lfunc_end2:
_tile_overlayer_lowered:
.L_overlay_start_2:
0x74: {  	(tag) =	ssettag $0x2  }
0x75: {  	s0 =	rddreg [dreg:$0x0];
	s2 =	stileid.u32  }
0x76: {  	s1 =	rddreg [dreg:$0x1];
	p0 =	sne.s32 s2, $0x0  }
0x77: {  	s3 =	rddreg [dreg:$0x2];
	[bflag:$0x3] =	sbarrier.arrive $0xFFFF;
	s2 =	simm.s32 @!p0 $0x1C05  }
0x78: {  	[timem:s3], [sflag:s2] =	dma.local @!p0 [hbm:s0], s1  }
0x79: {  	s0 =	simm.s32 @!p0 $0x5  }
0x7a: {  	_ =	swait.ge @!p0 [sflag:s0], s1  }
0x7b: {  	s1 =	ssub.s32 @!p0 $0x0, s1;
	[sflag:s0] =	ssyncset.done @!p0 $0x0  }
0x7c: {  	[sflag:s0] =	ssyncadd.s32 @!p0 s1  }
0x7d: {  	[bflag:$0x3] =	sbarrier.arrive $0xFFFF  }
0x7e: {  	_ =	shalt  }

</sc_bundles>
